<compile_context>
chip_gen: v7x
topology: tpu7x:2x2x1
jax: 0.10.2.dev20260603
libtpu: 0.0.44.dev20260713+nightly
codegen_flags: <defaults>
</compile_context>

<pallas_src>
import functools

import jax
import jax.numpy as jnp
from jax import lax
from jax.experimental import pallas as pl
from jax.experimental.pallas import tpu as pltpu
from jax.experimental.pallas import tpu_sc as plsc

B, C_IN, H, W = 8, 768, 32, 32
LATENT, K = 256, 8192
HW = H * W
KB = 1024
NKB = K // KB
NTOK = B * HW


def _argmin_body(zf_ref, cb_ref, zn_ref, cn_ref, idx_ref):
    zfb = zf_ref[...]
    zn = zn_ref[...]
    run_min = jnp.full((HW, 1), jnp.inf, dtype=jnp.float32)
    run_idx = jnp.zeros((HW, 1), dtype=jnp.int32)
    for j in range(NKB):
        cbj = cb_ref[pl.ds(j * KB, KB), :]
        mm = jnp.dot(zfb, cbj.T, preferred_element_type=jnp.float32)
        cnj = cn_ref[:, pl.ds(j * KB, KB)]
        dist = (zn + cnj) - 2.0 * mm
        m = jnp.min(dist, axis=1, keepdims=True)
        iota = jax.lax.broadcasted_iota(jnp.int32, (HW, KB), 1) + j * KB
        bidx = jnp.min(jnp.where(dist == m, iota, jnp.int32(2**30)),
                       axis=1, keepdims=True)
        upd = m < run_min
        run_idx = jnp.where(upd, bidx, run_idx)
        run_min = jnp.where(upd, m, run_min)
    idx_ref[...] = run_idx


def _vq_argmin(zf, codebook, zn, cn):
    return pl.pallas_call(
        _argmin_body,
        grid=(B,),
        in_specs=[
            pl.BlockSpec((HW, LATENT), lambda b: (b, 0)),
            pl.BlockSpec((K, LATENT), lambda b: (0, 0)),
            pl.BlockSpec((HW, 1), lambda b: (b, 0)),
            pl.BlockSpec((1, K), lambda b: (0, 0)),
        ],
        out_specs=pl.BlockSpec((HW, 1), lambda b: (b, 0)),
        out_shape=jax.ShapeDtypeStruct((NTOK, 1), jnp.int32),
    )(zf, codebook, zn, cn)



_SC_INFO = plsc.get_sparse_core_info()
_NW = _SC_INFO.num_cores * _SC_INFO.num_subcores
_BPW = NTOK // _NW


def _sc_gather(table, idx):
    mesh = plsc.VectorSubcoreMesh(core_axis_name="c", subcore_axis_name="s")

    @functools.partial(
        pl.kernel, mesh=mesh,
        out_type=jax.ShapeDtypeStruct((NTOK, LATENT), jnp.float32),
        scratch_types=[
            pltpu.VMEM((_BPW,), jnp.int32),
            pltpu.VMEM((_BPW, LATENT), jnp.float32),
            pltpu.SemaphoreType.DMA,
        ],
    )
    def k(table_hbm, idx_hbm, out_hbm, idx_v, rows_v, sem):
        wid = lax.axis_index("s") * _SC_INFO.num_cores + lax.axis_index("c")
        base = wid * _BPW
        pltpu.sync_copy(idx_hbm.at[pl.ds(base, _BPW)], idx_v)
        pltpu.async_copy(table_hbm.at[idx_v], rows_v, sem).wait()
        pltpu.sync_copy(rows_v, out_hbm.at[pl.ds(base, _BPW)])

    return k(table, idx)



def kernel(z, W_proj, b_proj, codebook):
    zp = jnp.einsum('bchw,oc->bohw', z, W_proj) + b_proj[None, :, None, None]
    zt = jnp.transpose(zp, (0, 2, 3, 1))
    zf = zt.reshape(-1, LATENT)
    zn = jnp.sum(zf * zf, axis=1, keepdims=True)
    cn = jnp.sum(codebook * codebook, axis=1)[None, :]
    idx = _vq_argmin(zf, codebook, zn, cn)
    min_indices = idx.reshape(-1)
    zq = _sc_gather(codebook, min_indices)
    st = zf + (zq - zf)
    rep_z_q = jnp.transpose(st.reshape(B, H, W, LATENT), (0, 3, 1, 2))
    return (rep_z_q, min_indices)

# --- scband reference (transcript-rebuilt; emitter-appended) ---
"""Pipeline reference for scband-code-book-83683142795648 (READ-ONLY COPY).

The authoritative reference and input builder live on the scoring server;
editing this copy changes nothing except your own understanding.
"""

import jax, jax.numpy as jnp
import numpy as np

B, C_IN, H, W = 8, 768, 32, 32
LATENT, K = 256, 8192

def setup_inputs(seed: int = 0) -> dict:
    key = jax.random.key(seed)
    k1, k2, k3 = jax.random.split(key, 3)
    z = jax.random.normal(k1, (B, C_IN, H, W), dtype=jnp.float32)
    # 1x1 conv == per-pixel linear: weight [out, in], bias [out]
    W_proj = jax.random.normal(k2, (LATENT, C_IN), dtype=jnp.float32) * (1.0 / np.sqrt(C_IN))
    b_proj = jnp.zeros((LATENT,), dtype=jnp.float32)
    codebook = jax.random.uniform(k3, (K, LATENT), dtype=jnp.float32, minval=-1.0 / K, maxval=1.0 / K)
    return {"z": z, "W_proj": W_proj, "b_proj": b_proj, "codebook": codebook}

def reference(z, W_proj, b_proj, codebook):
    # input_proj: Conv2d(hidden_dim, latent_dim, kernel_size=1)
    zp = jnp.einsum('bchw,oc->bohw', z, W_proj) + b_proj[None, :, None, None]
    # permute to BHWC and flatten
    zt = jnp.transpose(zp, (0, 2, 3, 1))
    zf = zt.reshape(-1, LATENT)
    # squared euclidean distance (cdist p=2 squared)
    dist = (jnp.sum(zf * zf, axis=1, keepdims=True)
            + jnp.sum(codebook * codebook, axis=1)[None, :]
            - 2.0 * (zf @ codebook.T))
    min_indices = jnp.argmin(dist, axis=1)
    # embedding lookup (gather)
    z_q = jnp.take(codebook, min_indices, axis=0).reshape(zt.shape)
    # straight-through estimator
    rep_z_q = zt + jax.lax.stop_gradient(z_q - zt)
    rep_z_q = jnp.transpose(rep_z_q, (0, 3, 1, 2))
    return (rep_z_q, min_indices)

if __name__ == "__main__":
    import jax
    _d = setup_inputs()
    print(jax.jit(kernel)(*tuple(_d.values())))

</pallas_src>

<mosaic_0001>
#map = affine_map<(d0, d1) -> (0, 0)>
#map1 = affine_map<(d0, d1) -> (0)>
module attributes {stable_mosaic.version = 14 : i64} {
  func.func @k(%arg0: i32, %arg1: i32, %arg2: memref<8192x256xf32, #tpu.memory_space<hbm>>, %arg3: memref<8192xi32, #tpu.memory_space<hbm>>, %arg4: memref<8192x256xf32, #tpu.memory_space<hbm>>, %arg5: memref<256xi32, #tpu.memory_space<vmem>>, %arg6: memref<256x256xf32, #tpu.memory_space<vmem>>, %arg7: memref<!tpu.dma_semaphore, #tpu.memory_space<semaphore_mem>>) attributes {dimension_semantics = [#tpu.dimension_semantics<core_parallel>, #tpu.dimension_semantics<subcore_parallel>], iteration_bounds = array<i64: 2, 16>, scalar_prefetch = 0 : i64, scratch_operands = 3 : i64, tpu.core_type = #tpu.core_type<sc_vector_subcore>, window_params = [{transform_indices = #map}, {transform_indices = #map1}, {transform_indices = #map}]} {
    %mul3A = arith.constant 2 : i32
    %mul3A_0 = arith.muli %arg1, %mul3A : i32
    %add3A = arith.addi %mul3A_0, %arg0 : i32
    %mul3A_1 = arith.constant 256 : i32
    %mul3A_2 = arith.muli %add3A, %mul3A_1 : i32
    "tpu.region"() ({
      %run_scoped3A = tpu.sem_alloc : memref<!tpu.dma_semaphore, #tpu.memory_space<semaphore_mem>>
      %dma_start3A_7 = tpu.memref_slice %arg3[%mul3A_2] : memref<8192xi32, #tpu.memory_space<hbm>> -> memref<256xi32, #tpu.memory_space<hbm>>
      %dma_start3A_8 = tpu.memref_slice %arg3[%mul3A_2] : memref<8192xi32, #tpu.memory_space<hbm>> -> memref<256xi32, #tpu.memory_space<hbm>>
      tpu.enqueue_dma source(%dma_start3A_8 : memref<256xi32, #tpu.memory_space<hbm>>) target(%arg5 : memref<256xi32, #tpu.memory_space<vmem>>) target_semaphore(%run_scoped3A : memref<!tpu.dma_semaphore, #tpu.memory_space<semaphore_mem>>)
      %dma_wait3A_9 = tpu.memref_slice %arg3[%mul3A_2] : memref<8192xi32, #tpu.memory_space<hbm>> -> memref<256xi32, #tpu.memory_space<hbm>>
      %dma_wait3A_10 = tpu.memref_slice %arg3[%mul3A_2] : memref<8192xi32, #tpu.memory_space<hbm>> -> memref<256xi32, #tpu.memory_space<hbm>>
      tpu.wait_dma2 semaphore(%run_scoped3A : memref<!tpu.dma_semaphore, #tpu.memory_space<semaphore_mem>>) src(%dma_wait3A_10 : memref<256xi32, #tpu.memory_space<hbm>>) dst(%arg5 : memref<256xi32, #tpu.memory_space<vmem>>)
      tpu.yield
    }) : () -> ()
    %dma_start3A = arith.constant 0 : i32
    %dma_start3A_3 = arith.constant 0 : i32
    %dma_start3A_4 = tpu.memref_slice %arg2[%dma_start3A, %dma_start3A_3] : memref<8192x256xf32, #tpu.memory_space<hbm>> -> memref<8192x256xf32, #tpu.memory_space<hbm>>
    tpu.enqueue_indirect_dma source(%dma_start3A_4 : memref<8192x256xf32, #tpu.memory_space<hbm>>) target(%arg6 : memref<256x256xf32, #tpu.memory_space<vmem>>) offsets(%arg5 : memref<256xi32, #tpu.memory_space<vmem>>) semaphore(%arg7 : memref<!tpu.dma_semaphore, #tpu.memory_space<semaphore_mem>>)
    %dma_wait3A = arith.constant 0 : i32
    %dma_wait3A_5 = arith.constant 0 : i32
    %dma_wait3A_6 = tpu.memref_slice %arg2[%dma_wait3A, %dma_wait3A_5] : memref<8192x256xf32, #tpu.memory_space<hbm>> -> memref<8192x256xf32, #tpu.memory_space<hbm>>
    tpu.wait_indirect_dma semaphore(%arg7 : memref<!tpu.dma_semaphore, #tpu.memory_space<semaphore_mem>>) src(%dma_wait3A_6 : memref<8192x256xf32, #tpu.memory_space<hbm>>) dst(%arg6 : memref<256x256xf32, #tpu.memory_space<vmem>>)
    "tpu.region"() ({
      %run_scoped3A = tpu.sem_alloc : memref<!tpu.dma_semaphore, #tpu.memory_space<semaphore_mem>>
      %dma_start3A_7 = arith.constant 0 : i32
      %dma_start3A_8 = tpu.memref_slice %arg4[%mul3A_2, %dma_start3A_7] : memref<8192x256xf32, #tpu.memory_space<hbm>> -> memref<256x256xf32, #tpu.memory_space<hbm>>
      %dma_start3A_9 = arith.constant 0 : i32
      %dma_start3A_10 = tpu.memref_slice %arg4[%mul3A_2, %dma_start3A_9] : memref<8192x256xf32, #tpu.memory_space<hbm>> -> memref<256x256xf32, #tpu.memory_space<hbm>>
      tpu.enqueue_dma source(%arg6 : memref<256x256xf32, #tpu.memory_space<vmem>>) target(%dma_start3A_10 : memref<256x256xf32, #tpu.memory_space<hbm>>) target_semaphore(%run_scoped3A : memref<!tpu.dma_semaphore, #tpu.memory_space<semaphore_mem>>)
      %dma_wait3A_11 = arith.constant 0 : i32
      %dma_wait3A_12 = tpu.memref_slice %arg4[%mul3A_2, %dma_wait3A_11] : memref<8192x256xf32, #tpu.memory_space<hbm>> -> memref<256x256xf32, #tpu.memory_space<hbm>>
      %dma_wait3A_13 = arith.constant 0 : i32
      %dma_wait3A_14 = tpu.memref_slice %arg4[%mul3A_2, %dma_wait3A_13] : memref<8192x256xf32, #tpu.memory_space<hbm>> -> memref<256x256xf32, #tpu.memory_space<hbm>>
      tpu.wait_dma2 semaphore(%run_scoped3A : memref<!tpu.dma_semaphore, #tpu.memory_space<semaphore_mem>>) src(%arg6 : memref<256x256xf32, #tpu.memory_space<vmem>>) dst(%dma_wait3A_14 : memref<256x256xf32, #tpu.memory_space<hbm>>)
      tpu.yield
    }) : () -> ()
    return
  }
}

module attributes {stable_mosaic.version = 14 : i64} {
  func.func @_argmin_body(%arg0: i32, %arg1: memref<1024x256xf32, #tpu.memory_space<vmem>>, %arg2: memref<8192x256xf32, #tpu.memory_space<vmem>>, %arg3: memref<1024x1xf32, #tpu.memory_space<vmem>>, %arg4: memref<1x8192xf32, #tpu.memory_space<vmem>>, %arg5: memref<1024x1xi32, #tpu.memory_space<vmem>>) attributes {dimension_semantics = [#tpu.dimension_semantics<arbitrary>], iteration_bounds = array<i64: 8>, scalar_prefetch = 0 : i64, scratch_operands = 0 : i64, tpu.core_type = #tpu.core_type<tc>, window_params = [{transform_indices = @transform_0, window_bounds = array<i64: 1024, 256>}, {pipeline_mode = #tpu.pipeline_mode<synchronous>, transform_indices = @transform_1, window_bounds = array<i64: 8192, 256>}, {transform_indices = @transform_2, window_bounds = array<i64: 1024, 1>}, {pipeline_mode = #tpu.pipeline_mode<synchronous>, transform_indices = @transform_3, window_bounds = array<i64: 1, 8192>}, {transform_indices = @transform_4, window_bounds = array<i64: 1024, 1>}]} {
    %get3A = arith.constant 0 : index
    %get3A_0 = arith.constant 0 : index
    %get3A_1 = vector.load %arg1[%get3A, %get3A_0] : memref<1024x256xf32, #tpu.memory_space<vmem>>, vector<1024x256xf32>
    %get3A_2 = arith.constant 0 : index
    %get3A_3 = arith.constant 0 : index
    %get3A_4 = vector.load %arg3[%get3A_2, %get3A_3] : memref<1024x1xf32, #tpu.memory_space<vmem>>, vector<1024x1xf32>
    %broadcast_in_dim3A = arith.constant 0x7F800000 : f32
    %broadcast_in_dim3A_5 = vector.broadcast %broadcast_in_dim3A : f32 to vector<1024x1xf32>
    %broadcast_in_dim3A_6 = arith.constant 0 : i32
    %broadcast_in_dim3A_7 = vector.broadcast %broadcast_in_dim3A_6 : i32 to vector<1024x1xi32>
    %get3A_8 = arith.constant 0 : index
    %get3A_9 = arith.constant 0 : index
    %get3A_10 = vector.load %arg2[%get3A_8, %get3A_9] : memref<8192x256xf32, #tpu.memory_space<vmem>>, vector<1024x256xf32>
    %transpose3A = tpu.transpose %get3A_10, [1, 0] : vector<1024x256xf32> -> vector<256x1024xf32>
    %dot_general3A = arith.constant dense<0.000000e+00> : vector<1024x1024xf32>
    %dot_general3A_11 = tpu.matmul %get3A_1, %transpose3A, %dot_general3A {dimension_numbers = #tpu.dot_dimension_numbers<[1], [0], [0], [1], [0, 0, 1, 1], [], []>, transpose_lhs_hint = false} : vector<1024x256xf32>, vector<256x1024xf32>, vector<1024x1024xf32> -> vector<1024x1024xf32>
    %get3A_12 = arith.constant 0 : index
    %get3A_13 = arith.constant 0 : index
    %get3A_14 = vector.load %arg4[%get3A_12, %get3A_13] : memref<1x8192xf32, #tpu.memory_space<vmem>>, vector<1x1024xf32>
    %add3A = vector.broadcast %get3A_4 : vector<1024x1xf32> to vector<1024x1024xf32>
    %add3A_15 = vector.broadcast %get3A_14 : vector<1x1024xf32> to vector<1024x1024xf32>
    %add3A_16 = arith.addf %add3A, %add3A_15 : vector<1024x1024xf32>
    %mul3A = arith.constant 2.000000e+00 : f32
    %mul3A_17 = vector.broadcast %mul3A : f32 to vector<1024x1024xf32>
    %mul3A_18 = arith.mulf %mul3A_17, %dot_general3A_11 : vector<1024x1024xf32>
    %sub3A = arith.subf %add3A_16, %mul3A_18 : vector<1024x1024xf32>
    %reduce_min3A = arith.constant dense<0x7F800000> : vector<1024xf32>
    %reduce_min3A_19 = vector.multi_reduction <minimumf>, %sub3A, %reduce_min3A [1] : vector<1024x1024xf32> to vector<1024xf32>
    %broadcast_in_dim3A_20 = vector.shape_cast %reduce_min3A_19 : vector<1024xf32> to vector<1024x1xf32>
    %iota3A = tpu.iota {dimensions = array<i32: 1>} : vector<1024x1024xi32>
    %add3A_21 = arith.constant 0 : i32
    %add3A_22 = vector.broadcast %add3A_21 : i32 to vector<1024x1024xi32>
    %add3A_23 = arith.addi %iota3A, %add3A_22 : vector<1024x1024xi32>
    %eq3A = vector.broadcast %broadcast_in_dim3A_20 : vector<1024x1xf32> to vector<1024x1024xf32>
    %eq3A_24 = arith.cmpf oeq, %sub3A, %eq3A : vector<1024x1024xf32>
    %jit3A = arith.constant 1073741824 : i32
    %broadcast_in_dim3A_25 = vector.broadcast %jit3A : i32 to vector<1024x1024xi32>
    %select_n3A = arith.select %eq3A_24, %add3A_23, %broadcast_in_dim3A_25 : vector<1024x1024xi1>, vector<1024x1024xi32>
    %reduce_min3A_26 = arith.constant dense<2147483647> : vector<1024xi32>
    %reduce_min3A_27 = vector.multi_reduction <minsi>, %select_n3A, %reduce_min3A_26 [1] : vector<1024x1024xi32> to vector<1024xi32>
    %broadcast_in_dim3A_28 = vector.shape_cast %reduce_min3A_27 : vector<1024xi32> to vector<1024x1xi32>
    %lt3A = arith.cmpf olt, %broadcast_in_dim3A_20, %broadcast_in_dim3A_5 : vector<1024x1xf32>
    %select_n3A_29 = arith.select %lt3A, %broadcast_in_dim3A_28, %broadcast_in_dim3A_7 : vector<1024x1xi1>, vector<1024x1xi32>
    %select_n3A_30 = arith.select %lt3A, %broadcast_in_dim3A_20, %broadcast_in_dim3A_5 : vector<1024x1xi1>, vector<1024x1xf32>
    %get3A_31 = arith.constant 1024 : index
    %get3A_32 = arith.constant 0 : index
    %get3A_33 = vector.load %arg2[%get3A_31, %get3A_32] : memref<8192x256xf32, #tpu.memory_space<vmem>>, vector<1024x256xf32>
    %transpose3A_34 = tpu.transpose %get3A_33, [1, 0] : vector<1024x256xf32> -> vector<256x1024xf32>
    %dot_general3A_35 = arith.constant dense<0.000000e+00> : vector<1024x1024xf32>
    %dot_general3A_36 = tpu.matmul %get3A_1, %transpose3A_34, %dot_general3A_35 {dimension_numbers = #tpu.dot_dimension_numbers<[1], [0], [0], [1], [0, 0, 1, 1], [], []>, transpose_lhs_hint = false} : vector<1024x256xf32>, vector<256x1024xf32>, vector<1024x1024xf32> -> vector<1024x1024xf32>
    %get3A_37 = arith.constant 0 : index
    %get3A_38 = arith.constant 1024 : index
    %get3A_39 = vector.load %arg4[%get3A_37, %get3A_38] : memref<1x8192xf32, #tpu.memory_space<vmem>>, vector<1x1024xf32>
    %add3A_40 = vector.broadcast %get3A_4 : vector<1024x1xf32> to vector<1024x1024xf32>
    %add3A_41 = vector.broadcast %get3A_39 : vector<1x1024xf32> to vector<1024x1024xf32>
    %add3A_42 = arith.addf %add3A_40, %add3A_41 : vector<1024x1024xf32>
    %mul3A_43 = arith.constant 2.000000e+00 : f32
    %mul3A_44 = vector.broadcast %mul3A_43 : f32 to vector<1024x1024xf32>
    %mul3A_45 = arith.mulf %mul3A_44, %dot_general3A_36 : vector<1024x1024xf32>
    %sub3A_46 = arith.subf %add3A_42, %mul3A_45 : vector<1024x1024xf32>
    %reduce_min3A_47 = arith.constant dense<0x7F800000> : vector<1024xf32>
    %reduce_min3A_48 = vector.multi_reduction <minimumf>, %sub3A_46, %reduce_min3A_47 [1] : vector<1024x1024xf32> to vector<1024xf32>
    %broadcast_in_dim3A_49 = vector.shape_cast %reduce_min3A_48 : vector<1024xf32> to vector<1024x1xf32>
    %iota3A_50 = tpu.iota {dimensions = array<i32: 1>} : vector<1024x1024xi32>
    %add3A_51 = arith.constant 1024 : i32
    %add3A_52 = vector.broadcast %add3A_51 : i32 to vector<1024x1024xi32>
    %add3A_53 = arith.addi %iota3A_50, %add3A_52 : vector<1024x1024xi32>
    %eq3A_54 = vector.broadcast %broadcast_in_dim3A_49 : vector<1024x1xf32> to vector<1024x1024xf32>
    %eq3A_55 = arith.cmpf oeq, %sub3A_46, %eq3A_54 : vector<1024x1024xf32>
    %jit3A_56 = arith.constant 1073741824 : i32
    %broadcast_in_dim3A_57 = vector.broadcast %jit3A_56 : i32 to vector<1024x1024xi32>
    %select_n3A_58 = arith.select %eq3A_55, %add3A_53, %broadcast_in_dim3A_57 : vector<1024x1024xi1>, vector<1024x1024xi32>
    %reduce_min3A_59 = arith.constant dense<2147483647> : vector<1024xi32>
    %reduce_min3A_60 = vector.multi_reduction <minsi>, %select_n3A_58, %reduce_min3A_59 [1] : vector<1024x1024xi32> to vector<1024xi32>
    %broadcast_in_dim3A_61 = vector.shape_cast %reduce_min3A_60 : vector<1024xi32> to vector<1024x1xi32>
    %lt3A_62 = arith.cmpf olt, %broadcast_in_dim3A_49, %select_n3A_30 : vector<1024x1xf32>
    %select_n3A_63 = arith.select %lt3A_62, %broadcast_in_dim3A_61, %select_n3A_29 : vector<1024x1xi1>, vector<1024x1xi32>
    %select_n3A_64 = arith.select %lt3A_62, %broadcast_in_dim3A_49, %select_n3A_30 : vector<1024x1xi1>, vector<1024x1xf32>
    %get3A_65 = arith.constant 2048 : index
    %get3A_66 = arith.constant 0 : index
    %get3A_67 = vector.load %arg2[%get3A_65, %get3A_66] : memref<8192x256xf32, #tpu.memory_space<vmem>>, vector<1024x256xf32>
    %transpose3A_68 = tpu.transpose %get3A_67, [1, 0] : vector<1024x256xf32> -> vector<256x1024xf32>
    %dot_general3A_69 = arith.constant dense<0.000000e+00> : vector<1024x1024xf32>
    %dot_general3A_70 = tpu.matmul %get3A_1, %transpose3A_68, %dot_general3A_69 {dimension_numbers = #tpu.dot_dimension_numbers<[1], [0], [0], [1], [0, 0, 1, 1], [], []>, transpose_lhs_hint = false} : vector<1024x256xf32>, vector<256x1024xf32>, vector<1024x1024xf32> -> vector<1024x1024xf32>
    %get3A_71 = arith.constant 0 : index
    %get3A_72 = arith.constant 2048 : index
    %get3A_73 = vector.load %arg4[%get3A_71, %get3A_72] : memref<1x8192xf32, #tpu.memory_space<vmem>>, vector<1x1024xf32>
    %add3A_74 = vector.broadcast %get3A_4 : vector<1024x1xf32> to vector<1024x1024xf32>
    %add3A_75 = vector.broadcast %get3A_73 : vector<1x1024xf32> to vector<1024x1024xf32>
    %add3A_76 = arith.addf %add3A_74, %add3A_75 : vector<1024x1024xf32>
    %mul3A_77 = arith.constant 2.000000e+00 : f32
    %mul3A_78 = vector.broadcast %mul3A_77 : f32 to vector<1024x1024xf32>
    %mul3A_79 = arith.mulf %mul3A_78, %dot_general3A_70 : vector<1024x1024xf32>
    %sub3A_80 = arith.subf %add3A_76, %mul3A_79 : vector<1024x1024xf32>
    %reduce_min3A_81 = arith.constant dense<0x7F800000> : vector<1024xf32>
    %reduce_min3A_82 = vector.multi_reduction <minimumf>, %sub3A_80, %reduce_min3A_81 [1] : vector<1024x1024xf32> to vector<1024xf32>
    %broadcast_in_dim3A_83 = vector.shape_cast %reduce_min3A_82 : vector<1024xf32> to vector<1024x1xf32>
    %iota3A_84 = tpu.iota {dimensions = array<i32: 1>} : vector<1024x1024xi32>
    %add3A_85 = arith.constant 2048 : i32
    %add3A_86 = vector.broadcast %add3A_85 : i32 to vector<1024x1024xi32>
    %add3A_87 = arith.addi %iota3A_84, %add3A_86 : vector<1024x1024xi32>
    %eq3A_88 = vector.broadcast %broadcast_in_dim3A_83 : vector<1024x1xf32> to vector<1024x1024xf32>
    %eq3A_89 = arith.cmpf oeq, %sub3A_80, %eq3A_88 : vector<1024x1024xf32>
    %jit3A_90 = arith.constant 1073741824 : i32
    %broadcast_in_dim3A_91 = vector.broadcast %jit3A_90 : i32 to vector<1024x1024xi32>
    %select_n3A_92 = arith.select %eq3A_89, %add3A_87, %broadcast_in_dim3A_91 : vector<1024x1024xi1>, vector<1024x1024xi32>
    %reduce_min3A_93 = arith.constant dense<2147483647> : vector<1024xi32>
    %reduce_min3A_94 = vector.multi_reduction <minsi>, %select_n3A_92, %reduce_min3A_93 [1] : vector<1024x1024xi32> to vector<1024xi32>
    %broadcast_in_dim3A_95 = vector.shape_cast %reduce_min3A_94 : vector<1024xi32> to vector<1024x1xi32>
    %lt3A_96 = arith.cmpf olt, %broadcast_in_dim3A_83, %select_n3A_64 : vector<1024x1xf32>
    %select_n3A_97 = arith.select %lt3A_96, %broadcast_in_dim3A_95, %select_n3A_63 : vector<1024x1xi1>, vector<1024x1xi32>
    %select_n3A_98 = arith.select %lt3A_96, %broadcast_in_dim3A_83, %select_n3A_64 : vector<1024x1xi1>, vector<1024x1xf32>
    %get3A_99 = arith.constant 3072 : index
    %get3A_100 = arith.constant 0 : index
    %get3A_101 = vector.load %arg2[%get3A_99, %get3A_100] : memref<8192x256xf32, #tpu.memory_space<vmem>>, vector<1024x256xf32>
    %transpose3A_102 = tpu.transpose %get3A_101, [1, 0] : vector<1024x256xf32> -> vector<256x1024xf32>
    %dot_general3A_103 = arith.constant dense<0.000000e+00> : vector<1024x1024xf32>
    %dot_general3A_104 = tpu.matmul %get3A_1, %transpose3A_102, %dot_general3A_103 {dimension_numbers = #tpu.dot_dimension_numbers<[1], [0], [0], [1], [0, 0, 1, 1], [], []>, transpose_lhs_hint = false} : vector<1024x256xf32>, vector<256x1024xf32>, vector<1024x1024xf32> -> vector<1024x1024xf32>
    %get3A_105 = arith.constant 0 : index
    %get3A_106 = arith.constant 3072 : index
    %get3A_107 = vector.load %arg4[%get3A_105, %get3A_106] : memref<1x8192xf32, #tpu.memory_space<vmem>>, vector<1x1024xf32>
    %add3A_108 = vector.broadcast %get3A_4 : vector<1024x1xf32> to vector<1024x1024xf32>
    %add3A_109 = vector.broadcast %get3A_107 : vector<1x1024xf32> to vector<1024x1024xf32>
    %add3A_110 = arith.addf %add3A_108, %add3A_109 : vector<1024x1024xf32>
    %mul3A_111 = arith.constant 2.000000e+00 : f32
    %mul3A_112 = vector.broadcast %mul3A_111 : f32 to vector<1024x1024xf32>
    %mul3A_113 = arith.mulf %mul3A_112, %dot_general3A_104 : vector<1024x1024xf32>
    %sub3A_114 = arith.subf %add3A_110, %mul3A_113 : vector<1024x1024xf32>
    %reduce_min3A_115 = arith.constant dense<0x7F800000> : vector<1024xf32>
    %reduce_min3A_116 = vector.multi_reduction <minimumf>, %sub3A_114, %reduce_min3A_115 [1] : vector<1024x1024xf32> to vector<1024xf32>
    %broadcast_in_dim3A_117 = vector.shape_cast %reduce_min3A_116 : vector<1024xf32> to vector<1024x1xf32>
    %iota3A_118 = tpu.iota {dimensions = array<i32: 1>} : vector<1024x1024xi32>
    %add3A_119 = arith.constant 3072 : i32
    %add3A_120 = vector.broadcast %add3A_119 : i32 to vector<1024x1024xi32>
    %add3A_121 = arith.addi %iota3A_118, %add3A_120 : vector<1024x1024xi32>
    %eq3A_122 = vector.broadcast %broadcast_in_dim3A_117 : vector<1024x1xf32> to vector<1024x1024xf32>
    %eq3A_123 = arith.cmpf oeq, %sub3A_114, %eq3A_122 : vector<1024x1024xf32>
    %jit3A_124 = arith.constant 1073741824 : i32
    %broadcast_in_dim3A_125 = vector.broadcast %jit3A_124 : i32 to vector<1024x1024xi32>
    %select_n3A_126 = arith.select %eq3A_123, %add3A_121, %broadcast_in_dim3A_125 : vector<1024x1024xi1>, vector<1024x1024xi32>
    %reduce_min3A_127 = arith.constant dense<2147483647> : vector<1024xi32>
    %reduce_min3A_128 = vector.multi_reduction <minsi>, %select_n3A_126, %reduce_min3A_127 [1] : vector<1024x1024xi32> to vector<1024xi32>
    %broadcast_in_dim3A_129 = vector.shape_cast %reduce_min3A_128 : vector<1024xi32> to vector<1024x1xi32>
    %lt3A_130 = arith.cmpf olt, %broadcast_in_dim3A_117, %select_n3A_98 : vector<1024x1xf32>
    %select_n3A_131 = arith.select %lt3A_130, %broadcast_in_dim3A_129, %select_n3A_97 : vector<1024x1xi1>, vector<1024x1xi32>
    %select_n3A_132 = arith.select %lt3A_130, %broadcast_in_dim3A_117, %select_n3A_98 : vector<1024x1xi1>, vector<1024x1xf32>
    %get3A_133 = arith.constant 4096 : index
    %get3A_134 = arith.constant 0 : index
    %get3A_135 = vector.load %arg2[%get3A_133, %get3A_134] : memref<8192x256xf32, #tpu.memory_space<vmem>>, vector<1024x256xf32>
    %transpose3A_136 = tpu.transpose %get3A_135, [1, 0] : vector<1024x256xf32> -> vector<256x1024xf32>
    %dot_general3A_137 = arith.constant dense<0.000000e+00> : vector<1024x1024xf32>
    %dot_general3A_138 = tpu.matmul %get3A_1, %transpose3A_136, %dot_general3A_137 {dimension_numbers = #tpu.dot_dimension_numbers<[1], [0], [0], [1], [0, 0, 1, 1], [], []>, transpose_lhs_hint = false} : vector<1024x256xf32>, vector<256x1024xf32>, vector<1024x1024xf32> -> vector<1024x1024xf32>
    %get3A_139 = arith.constant 0 : index
    %get3A_140 = arith.constant 4096 : index
    %get3A_141 = vector.load %arg4[%get3A_139, %get3A_140] : memref<1x8192xf32, #tpu.memory_space<vmem>>, vector<1x1024xf32>
    %add3A_142 = vector.broadcast %get3A_4 : vector<1024x1xf32> to vector<1024x1024xf32>
    %add3A_143 = vector.broadcast %get3A_141 : vector<1x1024xf32> to vector<1024x1024xf32>
    %add3A_144 = arith.addf %add3A_142, %add3A_143 : vector<1024x1024xf32>
    %mul3A_145 = arith.constant 2.000000e+00 : f32
    %mul3A_146 = vector.broadcast %mul3A_145 : f32 to vector<1024x1024xf32>
    %mul3A_147 = arith.mulf %mul3A_146, %dot_general3A_138 : vector<1024x1024xf32>
    %sub3A_148 = arith.subf %add3A_144, %mul3A_147 : vector<1024x1024xf32>
    %reduce_min3A_149 = arith.constant dense<0x7F800000> : vector<1024xf32>
    %reduce_min3A_150 = vector.multi_reduction <minimumf>, %sub3A_148, %reduce_min3A_149 [1] : vector<1024x1024xf32> to vector<1024xf32>
    %broadcast_in_dim3A_151 = vector.shape_cast %reduce_min3A_150 : vector<1024xf32> to vector<1024x1xf32>
    %iota3A_152 = tpu.iota {dimensions = array<i32: 1>} : vector<1024x1024xi32>
    %add3A_153 = arith.constant 4096 : i32
    %add3A_154 = vector.broadcast %add3A_153 : i32 to vector<1024x1024xi32>
    %add3A_155 = arith.addi %iota3A_152, %add3A_154 : vector<1024x1024xi32>
    %eq3A_156 = vector.broadcast %broadcast_in_dim3A_151 : vector<1024x1xf32> to vector<1024x1024xf32>
    %eq3A_157 = arith.cmpf oeq, %sub3A_148, %eq3A_156 : vector<1024x1024xf32>
    %jit3A_158 = arith.constant 1073741824 : i32
    %broadcast_in_dim3A_159 = vector.broadcast %jit3A_158 : i32 to vector<1024x1024xi32>
    %select_n3A_160 = arith.select %eq3A_157, %add3A_155, %broadcast_in_dim3A_159 : vector<1024x1024xi1>, vector<1024x1024xi32>
    %reduce_min3A_161 = arith.constant dense<2147483647> : vector<1024xi32>
    %reduce_min3A_162 = vector.multi_reduction <minsi>, %select_n3A_160, %reduce_min3A_161 [1] : vector<1024x1024xi32> to vector<1024xi32>
    %broadcast_in_dim3A_163 = vector.shape_cast %reduce_min3A_162 : vector<1024xi32> to vector<1024x1xi32>
    %lt3A_164 = arith.cmpf olt, %broadcast_in_dim3A_151, %select_n3A_132 : vector<1024x1xf32>
    %select_n3A_165 = arith.select %lt3A_164, %broadcast_in_dim3A_163, %select_n3A_131 : vector<1024x1xi1>, vector<1024x1xi32>
    %select_n3A_166 = arith.select %lt3A_164, %broadcast_in_dim3A_151, %select_n3A_132 : vector<1024x1xi1>, vector<1024x1xf32>
    %get3A_167 = arith.constant 5120 : index
    %get3A_168 = arith.constant 0 : index
    %get3A_169 = vector.load %arg2[%get3A_167, %get3A_168] : memref<8192x256xf32, #tpu.memory_space<vmem>>, vector<1024x256xf32>
    %transpose3A_170 = tpu.transpose %get3A_169, [1, 0] : vector<1024x256xf32> -> vector<256x1024xf32>
    %dot_general3A_171 = arith.constant dense<0.000000e+00> : vector<1024x1024xf32>
    %dot_general3A_172 = tpu.matmul %get3A_1, %transpose3A_170, %dot_general3A_171 {dimension_numbers = #tpu.dot_dimension_numbers<[1], [0], [0], [1], [0, 0, 1, 1], [], []>, transpose_lhs_hint = false} : vector<1024x256xf32>, vector<256x1024xf32>, vector<1024x1024xf32> -> vector<1024x1024xf32>
    %get3A_173 = arith.constant 0 : index
    %get3A_174 = arith.constant 5120 : index
    %get3A_175 = vector.load %arg4[%get3A_173, %get3A_174] : memref<1x8192xf32, #tpu.memory_space<vmem>>, vector<1x1024xf32>
    %add3A_176 = vector.broadcast %get3A_4 : vector<1024x1xf32> to vector<1024x1024xf32>
    %add3A_177 = vector.broadcast %get3A_175 : vector<1x1024xf32> to vector<1024x1024xf32>
    %add3A_178 = arith.addf %add3A_176, %add3A_177 : vector<1024x1024xf32>
    %mul3A_179 = arith.constant 2.000000e+00 : f32
    %mul3A_180 = vector.broadcast %mul3A_179 : f32 to vector<1024x1024xf32>
    %mul3A_181 = arith.mulf %mul3A_180, %dot_general3A_172 : vector<1024x1024xf32>
    %sub3A_182 = arith.subf %add3A_178, %mul3A_181 : vector<1024x1024xf32>
    %reduce_min3A_183 = arith.constant dense<0x7F800000> : vector<1024xf32>
    %reduce_min3A_184 = vector.multi_reduction <minimumf>, %sub3A_182, %reduce_min3A_183 [1] : vector<1024x1024xf32> to vector<1024xf32>
    %broadcast_in_dim3A_185 = vector.shape_cast %reduce_min3A_184 : vector<1024xf32> to vector<1024x1xf32>
    %iota3A_186 = tpu.iota {dimensions = array<i32: 1>} : vector<1024x1024xi32>
    %add3A_187 = arith.constant 5120 : i32
    %add3A_188 = vector.broadcast %add3A_187 : i32 to vector<1024x1024xi32>
    %add3A_189 = arith.addi %iota3A_186, %add3A_188 : vector<1024x1024xi32>
    %eq3A_190 = vector.broadcast %broadcast_in_dim3A_185 : vector<1024x1xf32> to vector<1024x1024xf32>
    %eq3A_191 = arith.cmpf oeq, %sub3A_182, %eq3A_190 : vector<1024x1024xf32>
    %jit3A_192 = arith.constant 1073741824 : i32
    %broadcast_in_dim3A_193 = vector.broadcast %jit3A_192 : i32 to vector<1024x1024xi32>
    %select_n3A_194 = arith.select %eq3A_191, %add3A_189, %broadcast_in_dim3A_193 : vector<1024x1024xi1>, vector<1024x1024xi32>
    %reduce_min3A_195 = arith.constant dense<2147483647> : vector<1024xi32>
    %reduce_min3A_196 = vector.multi_reduction <minsi>, %select_n3A_194, %reduce_min3A_195 [1] : vector<1024x1024xi32> to vector<1024xi32>
    %broadcast_in_dim3A_197 = vector.shape_cast %reduce_min3A_196 : vector<1024xi32> to vector<1024x1xi32>
    %lt3A_198 = arith.cmpf olt, %broadcast_in_dim3A_185, %select_n3A_166 : vector<1024x1xf32>
    %select_n3A_199 = arith.select %lt3A_198, %broadcast_in_dim3A_197, %select_n3A_165 : vector<1024x1xi1>, vector<1024x1xi32>
    %select_n3A_200 = arith.select %lt3A_198, %broadcast_in_dim3A_185, %select_n3A_166 : vector<1024x1xi1>, vector<1024x1xf32>
    %get3A_201 = arith.constant 6144 : index
    %get3A_202 = arith.constant 0 : index
    %get3A_203 = vector.load %arg2[%get3A_201, %get3A_202] : memref<8192x256xf32, #tpu.memory_space<vmem>>, vector<1024x256xf32>
    %transpose3A_204 = tpu.transpose %get3A_203, [1, 0] : vector<1024x256xf32> -> vector<256x1024xf32>
    %dot_general3A_205 = arith.constant dense<0.000000e+00> : vector<1024x1024xf32>
    %dot_general3A_206 = tpu.matmul %get3A_1, %transpose3A_204, %dot_general3A_205 {dimension_numbers = #tpu.dot_dimension_numbers<[1], [0], [0], [1], [0, 0, 1, 1], [], []>, transpose_lhs_hint = false} : vector<1024x256xf32>, vector<256x1024xf32>, vector<1024x1024xf32> -> vector<1024x1024xf32>
    %get3A_207 = arith.constant 0 : index
    %get3A_208 = arith.constant 6144 : index
    %get3A_209 = vector.load %arg4[%get3A_207, %get3A_208] : memref<1x8192xf32, #tpu.memory_space<vmem>>, vector<1x1024xf32>
    %add3A_210 = vector.broadcast %get3A_4 : vector<1024x1xf32> to vector<1024x1024xf32>
    %add3A_211 = vector.broadcast %get3A_209 : vector<1x1024xf32> to vector<1024x1024xf32>
    %add3A_212 = arith.addf %add3A_210, %add3A_211 : vector<1024x1024xf32>
    %mul3A_213 = arith.constant 2.000000e+00 : f32
    %mul3A_214 = vector.broadcast %mul3A_213 : f32 to vector<1024x1024xf32>
    %mul3A_215 = arith.mulf %mul3A_214, %dot_general3A_206 : vector<1024x1024xf32>
    %sub3A_216 = arith.subf %add3A_212, %mul3A_215 : vector<1024x1024xf32>
    %reduce_min3A_217 = arith.constant dense<0x7F800000> : vector<1024xf32>
    %reduce_min3A_218 = vector.multi_reduction <minimumf>, %sub3A_216, %reduce_min3A_217 [1] : vector<1024x1024xf32> to vector<1024xf32>
    %broadcast_in_dim3A_219 = vector.shape_cast %reduce_min3A_218 : vector<1024xf32> to vector<1024x1xf32>
    %iota3A_220 = tpu.iota {dimensions = array<i32: 1>} : vector<1024x1024xi32>
    %add3A_221 = arith.constant 6144 : i32
    %add3A_222 = vector.broadcast %add3A_221 : i32 to vector<1024x1024xi32>
    %add3A_223 = arith.addi %iota3A_220, %add3A_222 : vector<1024x1024xi32>
    %eq3A_224 = vector.broadcast %broadcast_in_dim3A_219 : vector<1024x1xf32> to vector<1024x1024xf32>
    %eq3A_225 = arith.cmpf oeq, %sub3A_216, %eq3A_224 : vector<1024x1024xf32>
    %jit3A_226 = arith.constant 1073741824 : i32
    %broadcast_in_dim3A_227 = vector.broadcast %jit3A_226 : i32 to vector<1024x1024xi32>
    %select_n3A_228 = arith.select %eq3A_225, %add3A_223, %broadcast_in_dim3A_227 : vector<1024x1024xi1>, vector<1024x1024xi32>
    %reduce_min3A_229 = arith.constant dense<2147483647> : vector<1024xi32>
    %reduce_min3A_230 = vector.multi_reduction <minsi>, %select_n3A_228, %reduce_min3A_229 [1] : vector<1024x1024xi32> to vector<1024xi32>
    %broadcast_in_dim3A_231 = vector.shape_cast %reduce_min3A_230 : vector<1024xi32> to vector<1024x1xi32>
    %lt3A_232 = arith.cmpf olt, %broadcast_in_dim3A_219, %select_n3A_200 : vector<1024x1xf32>
    %select_n3A_233 = arith.select %lt3A_232, %broadcast_in_dim3A_231, %select_n3A_199 : vector<1024x1xi1>, vector<1024x1xi32>
    %select_n3A_234 = arith.select %lt3A_232, %broadcast_in_dim3A_219, %select_n3A_200 : vector<1024x1xi1>, vector<1024x1xf32>
    %get3A_235 = arith.constant 7168 : index
    %get3A_236 = arith.constant 0 : index
    %get3A_237 = vector.load %arg2[%get3A_235, %get3A_236] : memref<8192x256xf32, #tpu.memory_space<vmem>>, vector<1024x256xf32>
    %transpose3A_238 = tpu.transpose %get3A_237, [1, 0] : vector<1024x256xf32> -> vector<256x1024xf32>
    %dot_general3A_239 = arith.constant dense<0.000000e+00> : vector<1024x1024xf32>
    %dot_general3A_240 = tpu.matmul %get3A_1, %transpose3A_238, %dot_general3A_239 {dimension_numbers = #tpu.dot_dimension_numbers<[1], [0], [0], [1], [0, 0, 1, 1], [], []>, transpose_lhs_hint = false} : vector<1024x256xf32>, vector<256x1024xf32>, vector<1024x1024xf32> -> vector<1024x1024xf32>
    %get3A_241 = arith.constant 0 : index
    %get3A_242 = arith.constant 7168 : index
    %get3A_243 = vector.load %arg4[%get3A_241, %get3A_242] : memref<1x8192xf32, #tpu.memory_space<vmem>>, vector<1x1024xf32>
    %add3A_244 = vector.broadcast %get3A_4 : vector<1024x1xf32> to vector<1024x1024xf32>
    %add3A_245 = vector.broadcast %get3A_243 : vector<1x1024xf32> to vector<1024x1024xf32>
    %add3A_246 = arith.addf %add3A_244, %add3A_245 : vector<1024x1024xf32>
    %mul3A_247 = arith.constant 2.000000e+00 : f32
    %mul3A_248 = vector.broadcast %mul3A_247 : f32 to vector<1024x1024xf32>
    %mul3A_249 = arith.mulf %mul3A_248, %dot_general3A_240 : vector<1024x1024xf32>
    %sub3A_250 = arith.subf %add3A_246, %mul3A_249 : vector<1024x1024xf32>
    %reduce_min3A_251 = arith.constant dense<0x7F800000> : vector<1024xf32>
    %reduce_min3A_252 = vector.multi_reduction <minimumf>, %sub3A_250, %reduce_min3A_251 [1] : vector<1024x1024xf32> to vector<1024xf32>
    %broadcast_in_dim3A_253 = vector.shape_cast %reduce_min3A_252 : vector<1024xf32> to vector<1024x1xf32>
    %iota3A_254 = tpu.iota {dimensions = array<i32: 1>} : vector<1024x1024xi32>
    %add3A_255 = arith.constant 7168 : i32
    %add3A_256 = vector.broadcast %add3A_255 : i32 to vector<1024x1024xi32>
    %add3A_257 = arith.addi %iota3A_254, %add3A_256 : vector<1024x1024xi32>
    %eq3A_258 = vector.broadcast %broadcast_in_dim3A_253 : vector<1024x1xf32> to vector<1024x1024xf32>
    %eq3A_259 = arith.cmpf oeq, %sub3A_250, %eq3A_258 : vector<1024x1024xf32>
    %jit3A_260 = arith.constant 1073741824 : i32
    %broadcast_in_dim3A_261 = vector.broadcast %jit3A_260 : i32 to vector<1024x1024xi32>
    %select_n3A_262 = arith.select %eq3A_259, %add3A_257, %broadcast_in_dim3A_261 : vector<1024x1024xi1>, vector<1024x1024xi32>
    %reduce_min3A_263 = arith.constant dense<2147483647> : vector<1024xi32>
    %reduce_min3A_264 = vector.multi_reduction <minsi>, %select_n3A_262, %reduce_min3A_263 [1] : vector<1024x1024xi32> to vector<1024xi32>
    %broadcast_in_dim3A_265 = vector.shape_cast %reduce_min3A_264 : vector<1024xi32> to vector<1024x1xi32>
    %lt3A_266 = arith.cmpf olt, %broadcast_in_dim3A_253, %select_n3A_234 : vector<1024x1xf32>
    %select_n3A_267 = arith.select %lt3A_266, %broadcast_in_dim3A_265, %select_n3A_233 : vector<1024x1xi1>, vector<1024x1xi32>
    %swap3A = arith.constant 0 : index
    %swap3A_268 = arith.constant 0 : index
    %swap3A_269 = vector.load %arg5[%swap3A, %swap3A_268] : memref<1024x1xi32, #tpu.memory_space<vmem>>, vector<1024x1xi32>
    tpu.vector_store %arg5[%swap3A, %swap3A_268], %select_n3A_267 {strides = array<i32>} : memref<1024x1xi32, #tpu.memory_space<vmem>>, vector<1024x1xi32>,
    return
  }
  func.func @transform_0(%arg0: i32) -> (i32, i32) {
    %c0_i32 = arith.constant 0 : i32
    %c0_i32_0 = arith.constant 0 : i32
    return %arg0, %c0_i32 : i32, i32
  }
  func.func @transform_1(%arg0: i32) -> (i32, i32) {
    %c0_i32 = arith.constant 0 : i32
    %c0_i32_0 = arith.constant 0 : i32
    %c0_i32_1 = arith.constant 0 : i32
    return %c0_i32, %c0_i32_0 : i32, i32
  }
  func.func @transform_2(%arg0: i32) -> (i32, i32) {
    %c0_i32 = arith.constant 0 : i32
    %c0_i32_0 = arith.constant 0 : i32
    return %arg0, %c0_i32 : i32, i32
  }
  func.func @transform_3(%arg0: i32) -> (i32, i32) {
    %c0_i32 = arith.constant 0 : i32
    %c0_i32_0 = arith.constant 0 : i32
    %c0_i32_1 = arith.constant 0 : i32
    return %c0_i32, %c0_i32_0 : i32, i32
  }
  func.func @transform_4(%arg0: i32) -> (i32, i32) {
    %c0_i32 = arith.constant 0 : i32
    %c0_i32_0 = arith.constant 0 : i32
    return %arg0, %c0_i32 : i32, i32
  }
}

</mosaic_0001>

<sc_bundles>
// kernel: kernel.4.cloned.1.call-start
scs
__scs_entry_jumppad:
0x0: {  	(pc) =	sbr.rel $0x88, $3  }
0x1: {  	(tag) =	ssettag $0x0;
	lr =	simm.s32 $0x1  }
0x2: {  	[smem:$0x3F9D] =	sst lr;
	_ =	strace $0xD0000000  }
0x3: {  	_ = 	snop  }
0x4: {  	_ = 	snop  }
0x5: {  	_ = 	snop  }
0x6: {  	_ = 	snop  }
0x7: {  	_ = 	snop  }
__scs_overlays_trampoline_lowered:
0x8: {  	[smem:$0x3FAC] =	sst s0  }
0x9: {  	[smem:$0x3FAD] =	sst s1  }
0xa: {  	[smem:$0x3FAE] =	sst s2  }
0xb: {  	[smem:$0x3FAF] =	sst s3  }
0xc: {  	[smem:$0x3FB0] =	sst s4  }
0xd: {  	[smem:$0x3FB1] =	sst s5  }
0xe: {  	[smem:$0x3FB2] =	sst s6  }
0xf: {  	[smem:$0x3FB3] =	sst s7  }
0x10: {  	[smem:$0x3FB4] =	sst s8  }
0x11: {  	[smem:$0x3FB5] =	sst s9;
	s0 =	simm.s32 @!p0 $0x0  }
0x12: {  	s1 =	sld [smem:$0x3F9B];
	s0 =	simm.s32 @p0 $0x1  }
0x13: {  	[smem:$0x3FB6] =	sst s0;
	s0 =	simm.s32 @!p1 $0x0  }
0x14: {  	s2 =	sld [smem:$0x3F9A];
	s0 =	simm.s32 @p1 $0x1  }
0x15: {  	[smem:$0x3FB7] =	sst s0;
	s0 =	simm.s32 @!p2 $0x0  }
0x16: {  	s3 =	sld [smem:$0x3FDB];
	s0 =	simm.s32 @p2 $0x1  }
0x17: {  	s4 =	simm.s32 $0x1BF5;
	[smem:$0x3FB9] =	sst s0  }
0x18: {  	s0 =	sld [smem:$0x3F9C];
	_ =	swait.ge [sflag:s4], $0x0  }
0x19: {  	s7 =	sld [smem:$0x3F9D]  }
0x1a: {  	s8 =	sadd.s32 $0xFFFFE003, lr  }
0x1b: {  	s9 =	sadd.s32 $0xFFFFFEF7, lr;
	s5 =	simm.s32 $0xFFFFFFFF;
	p2 =	slt.u32 s8, $0xFFFFF086  }
0x1c: {  	p1 =	slt.u32 s9, $0xF7A;
	s5 =	simm.s32 @!p2 $0x0  }
0x1d: {  	s5 =	simm.s32 @p1 $0x1;
	p0 =	seq.s32 s7, s2  }
0x1e: {  	s7 =	smul.u32 @!p0 $0xF7A, s2;
	p2 =	seq.s32 @!p0 s5, $0x0  }
0x1f: {  	s9 =	smul.u32 $0xF7A, s1;
	s8 =	simm.s32 @!p0 $0x1BF5;
	p2 =	por !p2, p0  }
0x20: {  	[sflag:s8] =	ssyncset.s32 @!p0 $0xFFFFF086;
	s6 =	sadd.s32 @!p0 s3, s7;
	s7 =	simm.s32 @!p0 $0x108  }
0x21: {  	s3 =	sadd.s32 s3, s9;
	s6 =	sadd.s32 @!p0 $0x88, s6;
	s7 =	simm.s32 @p2 $0x1082  }
0x22: {  	[simem:s7], [sflag:s8] =	dma.local @!p0 [hbm:s6], $0xF7A  }
0x23: {  	s9 =	sor.u32 $0xD0000000, s2;
	s6 =	simm.s32 $0x108;
	_ =	swait.ge @!p0 [sflag:s8], $0x0  }
0x24: {  	s3 =	sadd.s32 $0x88, s3;
	s6 =	simm.s32 @!p1 $0x1082;
	[sflag:s4] =	ssyncset.s32 $0xFFFFF086  }
0x25: {  	[simem:s6], [sflag:s4] =	dma.local [hbm:s3], $0xF7A  }
0x26: {  	[smem:$0x3F9D] =	sst s1;
	(tag) =	ssettag s2;
	_ =	strace s9  }
0x27: {  	s1 =	sld [smem:$0x3FAD]  }
0x28: {  	s2 =	sld [smem:$0x3FAE]  }
0x29: {  	s4 =	sld [smem:$0x3FB0]  }
0x2a: {  	p0 =	seq.s32 s5, $0x0;
	s5 =	sld [smem:$0x3FB1]  }
0x2b: {  	s6 =	sld [smem:$0x3FB2]  }
0x2c: {  	s7 =	sld [smem:$0x3FB3]  }
0x2d: {  	s3 =	simm.s32 $0x108;
	s8 =	sld [smem:$0x3FB4]  }
0x2e: {  	s3 =	simm.s32 @!p0 $0x1082;
	s9 =	sld [smem:$0x3FB5]  }
0x2f: {  	lr =	sadd.s32 s0, s3;
	s0 =	sld [smem:$0x3FAC]  }
0x30: {  	s3 =	sld [smem:$0x3FAF]  }
0x31: {  	[smem:$0x3FB8] =	sst s10  }
0x32: {  	s10 =	sld [smem:$0x3FB6];
	_ =	sdelay $0x3  }
0x33: {  	p0 =	seq.s32 s10, $0x1;
	s10 =	sld [smem:$0x3FB8];
	_ =	sdelay $0x3  }
0x34: {  	[smem:$0x3FB8] =	sst s10  }
0x35: {  	s10 =	sld [smem:$0x3FB7];
	_ =	sdelay $0x3  }
0x36: {  	p1 =	seq.s32 s10, $0x1;
	s10 =	sld [smem:$0x3FB8];
	_ =	sdelay $0x3  }
0x37: {  	[smem:$0x3FB8] =	sst s10  }
0x38: {  	s10 =	sld [smem:$0x3FB9]  }
0x39: {  	_ = 	snop;
	(pc) =	sbr.ind lr, $3  }
0x3a: {  	_ = 	snop  }
0x3b: {  	_ = 	snop  }
0x3c: {  	p2 =	seq.s32 s10, $0x1;
	s10 =	sld [smem:$0x3FB8]  }
0x3d: {  	_ =	shalt  }
0x3e: {  	_ =	shalt  }
0x3f: {  	_ =	shalt  }
0x40: {  	_ =	shalt  }
0x41: {  	_ =	shalt  }
0x42: {  	_ =	shalt  }
0x43: {  	_ =	shalt  }
0x44: {  	_ =	shalt  }
0x45: {  	_ =	shalt  }
0x46: {  	_ =	shalt  }
0x47: {  	_ =	shalt  }
0x48: {  	_ =	shalt  }
0x49: {  	_ =	shalt  }
0x4a: {  	_ =	shalt  }
0x4b: {  	_ =	shalt  }
0x4c: {  	_ =	shalt  }
0x4d: {  	_ =	shalt  }
0x4e: {  	_ =	shalt  }
0x4f: {  	_ =	shalt  }
0x50: {  	_ =	shalt  }
0x51: {  	_ =	shalt  }
0x52: {  	_ =	shalt  }
0x53: {  	_ =	shalt  }
0x54: {  	_ =	shalt  }
0x55: {  	_ =	shalt  }
0x56: {  	_ =	shalt  }
0x57: {  	_ =	shalt  }
0x58: {  	_ =	shalt  }
0x59: {  	_ =	shalt  }
0x5a: {  	_ =	shalt  }
0x5b: {  	_ =	shalt  }
0x5c: {  	_ =	shalt  }
0x5d: {  	_ =	shalt  }
0x5e: {  	_ =	shalt  }
0x5f: {  	_ =	shalt  }
0x60: {  	_ =	shalt  }
0x61: {  	_ =	shalt  }
0x62: {  	_ =	shalt  }
0x63: {  	_ =	shalt  }
0x64: {  	_ =	shalt  }
0x65: {  	_ =	shalt  }
0x66: {  	_ =	shalt  }
0x67: {  	_ =	shalt  }
0x68: {  	_ =	shalt  }
0x69: {  	_ =	shalt  }
0x6a: {  	_ =	shalt  }
0x6b: {  	_ =	shalt  }
0x6c: {  	_ =	shalt  }
0x6d: {  	_ =	shalt  }
0x6e: {  	_ =	shalt  }
0x6f: {  	_ =	shalt  }
0x70: {  	_ =	shalt  }
0x71: {  	_ =	shalt  }
0x72: {  	_ =	shalt  }
0x73: {  	_ =	shalt  }
0x74: {  	_ =	shalt  }
0x75: {  	_ =	shalt  }
0x76: {  	_ =	shalt  }
0x77: {  	_ =	shalt  }
0x78: {  	_ =	shalt  }
0x79: {  	_ =	shalt  }
0x7a: {  	_ =	shalt  }
0x7b: {  	_ =	shalt  }
0x7c: {  	_ =	shalt  }
0x7d: {  	_ =	shalt  }
0x7e: {  	_ =	shalt  }
0x7f: {  	_ =	shalt  }
0x80: {  	_ =	shalt  }
0x81: {  	_ =	shalt  }
0x82: {  	_ =	shalt  }
0x83: {  	_ =	shalt  }
0x84: {  	_ =	shalt  }
0x85: {  	_ =	shalt  }
0x86: {  	_ =	shalt  }
0x87: {  	_ =	shalt  }
.Lfunc_end0:
.L_simem_size_0:
called_computation_lowered:
.L_overlay_start_0:
0x88: {  	s2 =	sld [smem:$0x3FD9]  }
0x89: {  	s3 =	sld [smem:$0x3FFE];
	_ =	sdelay $0x1  }
0x8a: {  	s1 =	srdreg.scid  }
0x8b: {  	s0 =	sand.u32 $0x1, s1  }
0x8c: {  	s15 =	sshll.u32 s0, $0xA;
	s2 =	sadd.s32 s3, s2  }
0x8d: {  	s2 =	sadd.s32 s2, s15  }
0x8e: {  	[smem:$0x3FC4] =	sst s2  }
0x8f: {  	_ = 	snop  }
0x90: {  	s2 =	sld [smem:$0x3FD0];
	_ =	sdelay $0x2  }
0x91: {  	s4 =	simm.s32 $0xA;
	s5 =	simm.s32 $0x10;
	s16 =	sld [smem:$0x3FC6]  }
0x92: {  	[smem:s5], [sflag:s4] =	dma.local [hbm:s2], $0x1  }
0x93: {  	_ =	swait.eq [sflag:s4], $0x1  }
0x94: {  	[sflag:s4] =	ssyncset.done $0x0  }
0x95: {  	s17 =	sld [smem:$0x10];
	[sflag:s4] =	ssyncadd.s32 $0xFFFFFFFF  }
0x96: {  	s18 =	sld [smem:$0x11];
	(tm) =	ssettm $0x1  }
0x97: {  	s19 =	sld [smem:$0x3FFB];
	_ =	sdelay $0x3  }
0x98: {  	_ =	strace s19  }
0x99: {  	s5 =	sld [smem:$0x3FFC];
	_ =	sdelay $0x3  }
0x9a: {  	_ =	strace s5  }
0x9b: {  	s5 =	sld [smem:$0x3FFD];
	_ =	sdelay $0x3  }
0x9c: {  	_ =	strace s5  }
0x9d: {  	_ =	strace $0x8FFFFFFF  }
0x9e: {  	s20 =	sld [smem:$0x3FDB];
	_ =	sdelay $0x1  }
0x9f: {  	s6 =	simm.s32 $_scs_section_size  }
0xa0: {  	s7 =	simm.s32 $_size__tile_overlayer_lowered;
	s8 =	simm.s32 $_tile_overlayer_lowered  }
0xa1: {  	s23 =	simm.s32 $0x1BFF;
	s22 =	sshll.u32 s8, $0x1;
	s5 =	sadd.s32 s6, s20  }
0xa2: {  	s9 =	simm.s32 $0x0;
	s21 =	sshll.u32 s7, $0x1;
	s7 =	sadd.s32 s22, s5  }
0xa3: {  	[timem:s9], [sflag:s23] =	dma.local [hbm:s7], s21  }
0xa4: {  	_ =	swait.ge [sflag:s23], s21  }
0xa5: {  	s6 =	ssub.s32 $0x0, s21;
	[sflag:s23] =	ssyncset.done $0x0  }
0xa6: {  	[sflag:s23] =	ssyncadd.s32 s6;
	_ =	sdelay $0x1  }
0xa7: {  	s24 =	simm.s32 $0x1B8B  }
0xa8: {  	_ =	swait.ge [sflag:s24], $0x1  }
0xa9: {  	[sflag:s24] =	ssyncset.done $0x0  }
0xaa: {  	s25 =	simm.s32 $0x1B8E;
	[sflag:s24] =	ssyncadd.s32 $0xFFFFFFFF  }
0xab: {  	s26 =	simm.s32 $execute0_lowered;
	[smem:$0x3FD2] =	sst s25  }
0xac: {  	s6 =	sshll.u32 s26, $0x1;
	_ =	strace $0x80000046;
	[dreg:$0x1] =	wrdreg $0xFFFFFFFF  }
0xad: {  	s28 =	simm.s32 $_size_execute0_lowered;
	s5 =	sadd.s32 s5, s6;
	[dreg:$0x0] =	wrdreg $0x0  }
0xae: {  	s6 =	sshll.u32 s28, $0x1;
	[dreg:$0x2] =	wrdreg s5  }
0xaf: {  	[dreg:$0x3] =	wrdreg s6  }
0xb0: {  	[dreg:$0x4] =	wrdreg $0xC0  }
0xb1: {  	_ =	task [dreg:s9], $0x5FFFF  }
0xb2: {  	[dreg:$0x1] =	wrdreg $0xFFFFFFFF  }
0xb3: {  	[dreg:$0x0] =	wrdreg $0x60  }
0xb4: {  	[dreg:$0x2] =	wrdreg s16  }
0xb5: {  	[dreg:$0x3] =	wrdreg s18  }
0xb6: {  	[dreg:$0x4] =	wrdreg s17  }
0xb7: {  	[dreg:$0x5] =	wrdreg $0x9  }
0xb8: {  	_ =	task.clear_ibuf [dreg:s9], $0x6FFFF;
	_ =	strace $0x90000046  }
0xb9: {  	s29 =	simm.s32 $0x9;
	_ =	strace $0x80000048  }
0xba: {  	_ =	swait.ge [sflag:s29], $0x1  }
0xbb: {  	[sflag:s29] =	ssyncadd.s32 $0xFFFFFFFF  }
0xbc: {  	_ =	strace $0x90000048  }
0xbd: {  	_ =	sfence  }
0xbe: {  	s30 =	sld [smem:$0x0];
	_ =	sdelay $0x2  }
0xbf: {  	s31 =	sshll.u32 s1, $0xD;
	s1 =	sshrl.u32 s1, $0x2  }
0xc0: {  	s3 =	sand.u32 $0x4000, s31;
	s1 =	sadd.s32 s1, s30  }
0xc1: {  	s0 =	sor.u32 s3, s0;
	s1 =	sshll.u32 s1, $0x11  }
0xc2: {  	s0 =	sor.u32 s1, s0  }
0xc3: {  	s0 =	sadd.s32 $0x8F2B, s0  }
0xc4: {  	[sflag:s0] =	ssyncadd.remote.s32 $0x1  }
0xc5: {  	_ =	sfence.sel $0xFFFF  }
0xc6: {  	[dreg:$0x0] =	wrdreg $0xFFFFFFFF;
	(pc) =	sbr.abs _section_cstart, $3  }
0xc7: {  	[dreg:$0x1] =	wrdreg $0xFFFFFFFF  }
0xc8: {  	_ =	task.clear_ibuf [dreg:s9], $0x2FFFF;
	_ =	strace $0x9FFFFFFF  }
0xc9: {  	(tm) =	ssettm $0x7FFFFFFF  }
tec
execute0_lowered:
.L_overlay_start_1:
0x0: {  	(tag) =	ssettag $0x1  }
0x1: {  	s1 =	rddreg [dreg:$0x0]  }
0x2: {  	s2 =	srdreg.scid;
	s4 =	rddreg [dreg:$0x1]  }
0x3: {  	s0 =	stileid.u32;
	s5 =	rddreg [dreg:$0x2]  }
0x4: {  	s3 =	simm.s32 $0x0;
	s19 =	simm.s32 $0x900;
	s20 =	simm.s32 $0x1100  }
0x5: {  	s21 =	simm.s32 $0x1900;
	s23 =	simm.s32 $0x2100;
	s24 =	simm.s32 $0x2900  }
0x6: {  	s25 =	simm.s32 $0x3100;
	s26 =	simm.s32 $0x3900;
	s8 =	simm.s32 $0x4900  }
0x7: {  	s9 =	simm.s32 $0x5100;
	s10 =	simm.s32 $0x5900;
	s11 =	simm.s32 $0x6100  }
0x8: {  	s12 =	simm.s32 $0x6900;
	s13 =	simm.s32 $0x7100;
	[smem:$0x7FF] =	sst s3  }
0x9: {  	s14 =	simm.s32 $0x7900;
	_ =	strace $0x80000047;
	[dreg:$0x6] =	wrdreg s19  }
0xa: {  	s15 =	simm.s32 $0x8100;
	s16 =	simm.s32 $0x8900;
	[dreg:$0x7] =	wrdreg s20  }
0xb: {  	s17 =	simm.s32 $0x9100;
	s28 =	simm.s32 $0xE100;
	[dreg:$0x8] =	wrdreg s21  }
0xc: {  	s29 =	simm.s32 $0xE900;
	s30 =	simm.s32 $0xF100;
	[dreg:$0x9] =	wrdreg s23  }
0xd: {  	s31 =	simm.s32 $0xF900;
	s2 =	sand.u32 $0x1, s2;
	[dreg:$0xa] =	wrdreg s24  }
0xe: {  	s6 =	sshll.u32 s0, $0x9;
	s7 =	sshll.u32 s2, $0x8;
	[dreg:$0xb] =	wrdreg s25  }
0xf: {  	s2 =	ssub.s32 $0x2, s2;
	[dreg:$0xc] =	wrdreg s26;
	s19 =	simm.s32 $0xA100  }
0x10: {  	s20 =	simm.s32 $0xA900;
	s21 =	simm.s32 $0xB100;
	s23 =	simm.s32 $0xC100  }
0x11: {  	s24 =	simm.s32 $0xC900;
	s25 =	simm.s32 $0xD100;
	s6 =	sor.u32 s7, s6  }
0x12: {  	s26 =	simm.s32 $0xD900;
	s22 =	sshrl.u32 s2, $0x1;
	s7 =	sshrl.u32 s6, $0x3  }
0x13: {  	s6 =	sshll.u32 s6, $0x5;
	s2 =	ssub.s32 s2, s22;
	s4 =	sadd.s32 s4, s7  }
0x14: {  	v2 =	vlaneseq.u32;
	s22 =	simm.s32 $0xB900;
	s18 =	sadd.s32 s5, s6;
	[dreg:$0x4] =	wrdreg s4  }
0x15: {  	vm0 =	vmmov $0xffff;
	v1 =	vshrl.u32 v2, $0x3;
	s5 =	simm.s32 $0x2;
	s6 =	simm.s32 $0x100;
	[dreg:$0x5] =	wrdreg s18  }
0x16: {  	v0 =	vand.u32 $0x7, v2;
	v2 =	vor.u32 $0x8, v2;
	v1 =	vmul.u32 $0x8, v1;
	s4 =	smax.u32 s2, $0x1;
	s18 =	simm.s32 $0x9900;
	s2 =	simm.s32 $0x1  }
.LBB2_1:
0x17: {  	s0 =	rddreg [dreg:$0x4]  }
0x18: {  	[tilespmem:s3], [sflag:$0x2] =	stream.linear.gather [hbm4b:s0+s3], $0x100, $0x38;
	[tilespmem:$0x10100] =	vst v63  }
0x19: {  	_ =	swait.ge [sflag:s5], $0x100  }
0x1a: {  	[sflag:s5] =	ssyncset.done $0x0  }
0x1b: {  	[sflag:s5] =	ssyncadd.s32 $0xFFFFFF00  }
0x1c: {  	v3 =	vld [tilespmem:$0x0];
	_ =	sdelay $0x4  }
0x1d: {  	v4 =	vshll.u32 v3, $0x1  }
0x1e: {  	v3 =	vand.u32 $0x7, v3;
	v4 =	vand.u32 $0xFFFFFFF0, v4  }
0x1f: {  	v3 =	vor.u32 v3, v4  }
0x20: {  	v4 =	vperm.xlane v3, v0;
	_ =	sdelay $0x1  }
0x21: {  	v3 =	vperm.xlane v3, v2;
	v4 =	vadd.s32 v1, v4;
	_ =	sdelay $0x1  }
0x22: {  	v3 =	vadd.s32 v1, v3;
	_ =	sdelay $0x2  }
0x23: {  	[tilespmem:s6], [sflag:$0x1] =	stream.indirect_vreg.gather [hbm4b:s1+s3], $0x80, v4, vm0, $0xb8;
	[tilespmem:$0x10100] =	vst v63  }
0x24: {  	s7 =	rddreg [dreg:$0x6]  }
0x25: {  	[tilespmem:s7], [sflag:$0x1] =	stream.indirect_vreg.gather [hbm4b:s1+s3], $0x80, v3, vm0, $0xb8;
	[tilespmem:$0x10100] =	vst v63  }
0x26: {  	v3 =	vld [tilespmem:$0x10];
	_ =	sdelay $0x4  }
0x27: {  	v49 =	vshll.u32 v3, $0x1  }
0x28: {  	v3 =	vand.u32 $0x7, v3;
	v4 =	vand.u32 $0xFFFFFFF0, v49  }
0x29: {  	v3 =	vor.u32 v3, v4  }
0x2a: {  	v4 =	vperm.xlane v3, v0;
	_ =	sdelay $0x1  }
0x2b: {  	v3 =	vperm.xlane v3, v2;
	v4 =	vadd.s32 v1, v4;
	_ =	sdelay $0x1  }
0x2c: {  	v3 =	vadd.s32 v1, v3;
	_ =	sdelay $0x1  }
0x2d: {  	s0 =	rddreg [dreg:$0x7]  }
0x2e: {  	[tilespmem:s0], [sflag:$0x1] =	stream.indirect_vreg.gather [hbm4b:s1+s3], $0x80, v4, vm0, $0xb8;
	[tilespmem:$0x10100] =	vst v63  }
0x2f: {  	s7 =	rddreg [dreg:$0x8]  }
0x30: {  	[tilespmem:s7], [sflag:$0x1] =	stream.indirect_vreg.gather [hbm4b:s1+s3], $0x80, v3, vm0, $0xb8;
	[tilespmem:$0x10100] =	vst v63  }
0x31: {  	v3 =	vld [tilespmem:$0x20];
	_ =	sdelay $0x4  }
0x32: {  	v50 =	vshll.u32 v3, $0x1  }
0x33: {  	v3 =	vand.u32 $0x7, v3;
	v4 =	vand.u32 $0xFFFFFFF0, v50  }
0x34: {  	v3 =	vor.u32 v3, v4  }
0x35: {  	v4 =	vperm.xlane v3, v0;
	_ =	sdelay $0x1  }
0x36: {  	v3 =	vperm.xlane v3, v2;
	v4 =	vadd.s32 v1, v4;
	_ =	sdelay $0x1  }
0x37: {  	v3 =	vadd.s32 v1, v3;
	_ =	sdelay $0x1  }
0x38: {  	s0 =	rddreg [dreg:$0x9]  }
0x39: {  	[tilespmem:s0], [sflag:$0x1] =	stream.indirect_vreg.gather [hbm4b:s1+s3], $0x80, v4, vm0, $0xb8;
	[tilespmem:$0x10100] =	vst v63  }
0x3a: {  	s7 =	rddreg [dreg:$0xa]  }
0x3b: {  	[tilespmem:s7], [sflag:$0x1] =	stream.indirect_vreg.gather [hbm4b:s1+s3], $0x80, v3, vm0, $0xb8;
	[tilespmem:$0x10100] =	vst v63  }
0x3c: {  	v3 =	vld [tilespmem:$0x30];
	_ =	sdelay $0x4  }
0x3d: {  	v51 =	vshll.u32 v3, $0x1  }
0x3e: {  	v3 =	vand.u32 $0x7, v3;
	v4 =	vand.u32 $0xFFFFFFF0, v51  }
0x3f: {  	v3 =	vor.u32 v3, v4  }
0x40: {  	v4 =	vperm.xlane v3, v0;
	_ =	sdelay $0x1  }
0x41: {  	v3 =	vperm.xlane v3, v2;
	v4 =	vadd.s32 v1, v4;
	_ =	sdelay $0x1  }
0x42: {  	v3 =	vadd.s32 v1, v3;
	_ =	sdelay $0x1  }
0x43: {  	s0 =	rddreg [dreg:$0xb]  }
0x44: {  	[tilespmem:s0], [sflag:$0x1] =	stream.indirect_vreg.gather [hbm4b:s1+s3], $0x80, v4, vm0, $0xb8;
	[tilespmem:$0x10100] =	vst v63  }
0x45: {  	s7 =	rddreg [dreg:$0xc]  }
0x46: {  	[tilespmem:s7], [sflag:$0x1] =	stream.indirect_vreg.gather [hbm4b:s1+s3], $0x80, v3, vm0, $0xb8;
	[tilespmem:$0x10100] =	vst v63  }
0x47: {  	v3 =	vld [tilespmem:$0x40];
	_ =	sdelay $0x4  }
0x48: {  	v52 =	vshll.u32 v3, $0x1  }
0x49: {  	v3 =	vand.u32 $0x7, v3;
	v4 =	vand.u32 $0xFFFFFFF0, v52  }
0x4a: {  	v3 =	vor.u32 v3, v4  }
0x4b: {  	v4 =	vperm.xlane v3, v0;
	_ =	sdelay $0x1  }
0x4c: {  	v3 =	vperm.xlane v3, v2;
	v4 =	vadd.s32 v1, v4;
	_ =	sdelay $0x1  }
0x4d: {  	v3 =	vadd.s32 v1, v3;
	_ =	sdelay $0x1  }
0x4e: {  	s7 =	simm.s32 $0x4100  }
0x4f: {  	[tilespmem:s7], [sflag:$0x1] =	stream.indirect_vreg.gather [hbm4b:s1+s3], $0x80, v4, vm0, $0xb8;
	[tilespmem:$0x10100] =	vst v63  }
0x50: {  	_ = 	snop  }
0x51: {  	[tilespmem:s8], [sflag:$0x1] =	stream.indirect_vreg.gather [hbm4b:s1+s3], $0x80, v3, vm0, $0xb8;
	[tilespmem:$0x10100] =	vst v63  }
0x52: {  	v3 =	vld [tilespmem:$0x50];
	_ =	sdelay $0x4  }
0x53: {  	v53 =	vshll.u32 v3, $0x1  }
0x54: {  	v3 =	vand.u32 $0x7, v3;
	v4 =	vand.u32 $0xFFFFFFF0, v53  }
0x55: {  	v3 =	vor.u32 v3, v4  }
0x56: {  	v4 =	vperm.xlane v3, v0;
	_ =	sdelay $0x1  }
0x57: {  	v3 =	vperm.xlane v3, v2;
	v4 =	vadd.s32 v1, v4;
	_ =	sdelay $0x1  }
0x58: {  	v3 =	vadd.s32 v1, v3;
	_ =	sdelay $0x2  }
0x59: {  	[tilespmem:s9], [sflag:$0x1] =	stream.indirect_vreg.gather [hbm4b:s1+s3], $0x80, v4, vm0, $0xb8;
	[tilespmem:$0x10100] =	vst v63  }
0x5a: {  	_ = 	snop  }
0x5b: {  	[tilespmem:s10], [sflag:$0x1] =	stream.indirect_vreg.gather [hbm4b:s1+s3], $0x80, v3, vm0, $0xb8;
	[tilespmem:$0x10100] =	vst v63  }
0x5c: {  	v3 =	vld [tilespmem:$0x60];
	_ =	sdelay $0x4  }
0x5d: {  	v54 =	vshll.u32 v3, $0x1  }
0x5e: {  	v3 =	vand.u32 $0x7, v3;
	v4 =	vand.u32 $0xFFFFFFF0, v54  }
0x5f: {  	v3 =	vor.u32 v3, v4  }
0x60: {  	v4 =	vperm.xlane v3, v0;
	_ =	sdelay $0x1  }
0x61: {  	v3 =	vperm.xlane v3, v2;
	v4 =	vadd.s32 v1, v4;
	_ =	sdelay $0x1  }
0x62: {  	v3 =	vadd.s32 v1, v3;
	_ =	sdelay $0x2  }
0x63: {  	[tilespmem:s11], [sflag:$0x1] =	stream.indirect_vreg.gather [hbm4b:s1+s3], $0x80, v4, vm0, $0xb8;
	[tilespmem:$0x10100] =	vst v63  }
0x64: {  	_ = 	snop  }
0x65: {  	[tilespmem:s12], [sflag:$0x1] =	stream.indirect_vreg.gather [hbm4b:s1+s3], $0x80, v3, vm0, $0xb8;
	[tilespmem:$0x10100] =	vst v63  }
0x66: {  	v3 =	vld [tilespmem:$0x70];
	_ =	sdelay $0x4  }
0x67: {  	v55 =	vshll.u32 v3, $0x1  }
0x68: {  	v3 =	vand.u32 $0x7, v3;
	v4 =	vand.u32 $0xFFFFFFF0, v55  }
0x69: {  	v3 =	vor.u32 v3, v4  }
0x6a: {  	v4 =	vperm.xlane v3, v0;
	_ =	sdelay $0x1  }
0x6b: {  	v3 =	vperm.xlane v3, v2;
	v4 =	vadd.s32 v1, v4;
	_ =	sdelay $0x1  }
0x6c: {  	v3 =	vadd.s32 v1, v3;
	_ =	sdelay $0x2  }
0x6d: {  	[tilespmem:s13], [sflag:$0x1] =	stream.indirect_vreg.gather [hbm4b:s1+s3], $0x80, v4, vm0, $0xb8;
	[tilespmem:$0x10100] =	vst v63  }
0x6e: {  	_ = 	snop  }
0x6f: {  	[tilespmem:s14], [sflag:$0x1] =	stream.indirect_vreg.gather [hbm4b:s1+s3], $0x80, v3, vm0, $0xb8;
	[tilespmem:$0x10100] =	vst v63  }
0x70: {  	v3 =	vld [tilespmem:$0x80];
	_ =	sdelay $0x4  }
0x71: {  	v56 =	vshll.u32 v3, $0x1  }
0x72: {  	v3 =	vand.u32 $0x7, v3;
	v4 =	vand.u32 $0xFFFFFFF0, v56  }
0x73: {  	v3 =	vor.u32 v3, v4  }
0x74: {  	v4 =	vperm.xlane v3, v0;
	_ =	sdelay $0x1  }
0x75: {  	v3 =	vperm.xlane v3, v2;
	v4 =	vadd.s32 v1, v4;
	_ =	sdelay $0x1  }
0x76: {  	v3 =	vadd.s32 v1, v3;
	_ =	sdelay $0x2  }
0x77: {  	[tilespmem:s15], [sflag:$0x1] =	stream.indirect_vreg.gather [hbm4b:s1+s3], $0x80, v4, vm0, $0xb8;
	[tilespmem:$0x10100] =	vst v63  }
0x78: {  	_ = 	snop  }
0x79: {  	[tilespmem:s16], [sflag:$0x1] =	stream.indirect_vreg.gather [hbm4b:s1+s3], $0x80, v3, vm0, $0xb8;
	[tilespmem:$0x10100] =	vst v63  }
0x7a: {  	v3 =	vld [tilespmem:$0x90];
	_ =	sdelay $0x4  }
0x7b: {  	v57 =	vshll.u32 v3, $0x1  }
0x7c: {  	v3 =	vand.u32 $0x7, v3;
	v4 =	vand.u32 $0xFFFFFFF0, v57  }
0x7d: {  	v3 =	vor.u32 v3, v4  }
0x7e: {  	v4 =	vperm.xlane v3, v0;
	_ =	sdelay $0x1  }
0x7f: {  	v3 =	vperm.xlane v3, v2;
	v4 =	vadd.s32 v1, v4;
	_ =	sdelay $0x1  }
0x80: {  	v3 =	vadd.s32 v1, v3;
	_ =	sdelay $0x2  }
0x81: {  	[tilespmem:s17], [sflag:$0x1] =	stream.indirect_vreg.gather [hbm4b:s1+s3], $0x80, v4, vm0, $0xb8;
	[tilespmem:$0x10100] =	vst v63  }
0x82: {  	_ = 	snop  }
0x83: {  	[tilespmem:s18], [sflag:$0x1] =	stream.indirect_vreg.gather [hbm4b:s1+s3], $0x80, v3, vm0, $0xb8;
	[tilespmem:$0x10100] =	vst v63  }
0x84: {  	v3 =	vld [tilespmem:$0xA0];
	_ =	sdelay $0x4  }
0x85: {  	v58 =	vshll.u32 v3, $0x1  }
0x86: {  	v3 =	vand.u32 $0x7, v3;
	v4 =	vand.u32 $0xFFFFFFF0, v58  }
0x87: {  	v3 =	vor.u32 v3, v4  }
0x88: {  	v4 =	vperm.xlane v3, v0;
	_ =	sdelay $0x1  }
0x89: {  	v3 =	vperm.xlane v3, v2;
	v4 =	vadd.s32 v1, v4;
	_ =	sdelay $0x1  }
0x8a: {  	v3 =	vadd.s32 v1, v3;
	_ =	sdelay $0x2  }
0x8b: {  	[tilespmem:s19], [sflag:$0x1] =	stream.indirect_vreg.gather [hbm4b:s1+s3], $0x80, v4, vm0, $0xb8;
	[tilespmem:$0x10100] =	vst v63  }
0x8c: {  	_ = 	snop  }
0x8d: {  	[tilespmem:s20], [sflag:$0x1] =	stream.indirect_vreg.gather [hbm4b:s1+s3], $0x80, v3, vm0, $0xb8;
	[tilespmem:$0x10100] =	vst v63  }
0x8e: {  	v3 =	vld [tilespmem:$0xB0];
	_ =	sdelay $0x4  }
0x8f: {  	v59 =	vshll.u32 v3, $0x1  }
0x90: {  	v3 =	vand.u32 $0x7, v3;
	v4 =	vand.u32 $0xFFFFFFF0, v59  }
0x91: {  	v3 =	vor.u32 v3, v4  }
0x92: {  	v4 =	vperm.xlane v3, v0;
	_ =	sdelay $0x1  }
0x93: {  	v3 =	vperm.xlane v3, v2;
	v4 =	vadd.s32 v1, v4;
	_ =	sdelay $0x1  }
0x94: {  	v3 =	vadd.s32 v1, v3;
	_ =	sdelay $0x2  }
0x95: {  	[tilespmem:s21], [sflag:$0x1] =	stream.indirect_vreg.gather [hbm4b:s1+s3], $0x80, v4, vm0, $0xb8;
	[tilespmem:$0x10100] =	vst v63  }
0x96: {  	_ = 	snop  }
0x97: {  	[tilespmem:s22], [sflag:$0x1] =	stream.indirect_vreg.gather [hbm4b:s1+s3], $0x80, v3, vm0, $0xb8;
	[tilespmem:$0x10100] =	vst v63  }
0x98: {  	v3 =	vld [tilespmem:$0xC0];
	_ =	sdelay $0x4  }
0x99: {  	v60 =	vshll.u32 v3, $0x1  }
0x9a: {  	v3 =	vand.u32 $0x7, v3;
	v4 =	vand.u32 $0xFFFFFFF0, v60  }
0x9b: {  	v3 =	vor.u32 v3, v4  }
0x9c: {  	v4 =	vperm.xlane v3, v0;
	_ =	sdelay $0x1  }
0x9d: {  	v3 =	vperm.xlane v3, v2;
	v4 =	vadd.s32 v1, v4;
	_ =	sdelay $0x1  }
0x9e: {  	v3 =	vadd.s32 v1, v3;
	_ =	sdelay $0x2  }
0x9f: {  	[tilespmem:s23], [sflag:$0x1] =	stream.indirect_vreg.gather [hbm4b:s1+s3], $0x80, v4, vm0, $0xb8;
	[tilespmem:$0x10100] =	vst v63  }
0xa0: {  	_ = 	snop  }
0xa1: {  	[tilespmem:s24], [sflag:$0x1] =	stream.indirect_vreg.gather [hbm4b:s1+s3], $0x80, v3, vm0, $0xb8;
	[tilespmem:$0x10100] =	vst v63  }
0xa2: {  	v3 =	vld [tilespmem:$0xD0];
	_ =	sdelay $0x4  }
0xa3: {  	v61 =	vshll.u32 v3, $0x1  }
0xa4: {  	v3 =	vand.u32 $0x7, v3;
	v4 =	vand.u32 $0xFFFFFFF0, v61  }
0xa5: {  	v3 =	vor.u32 v3, v4  }
0xa6: {  	v4 =	vperm.xlane v3, v0;
	_ =	sdelay $0x1  }
0xa7: {  	v3 =	vperm.xlane v3, v2;
	v4 =	vadd.s32 v1, v4;
	_ =	sdelay $0x1  }
0xa8: {  	v3 =	vadd.s32 v1, v3;
	_ =	sdelay $0x2  }
0xa9: {  	[tilespmem:s25], [sflag:$0x1] =	stream.indirect_vreg.gather [hbm4b:s1+s3], $0x80, v4, vm0, $0xb8;
	[tilespmem:$0x10100] =	vst v63  }
0xaa: {  	_ = 	snop  }
0xab: {  	[tilespmem:s26], [sflag:$0x1] =	stream.indirect_vreg.gather [hbm4b:s1+s3], $0x80, v3, vm0, $0xb8;
	[tilespmem:$0x10100] =	vst v63  }
0xac: {  	v3 =	vld [tilespmem:$0xE0];
	_ =	sdelay $0x4  }
0xad: {  	v62 =	vshll.u32 v3, $0x1  }
0xae: {  	v3 =	vand.u32 $0x7, v3;
	v4 =	vand.u32 $0xFFFFFFF0, v62  }
0xaf: {  	v3 =	vor.u32 v3, v4  }
0xb0: {  	v4 =	vperm.xlane v3, v0;
	_ =	sdelay $0x1  }
0xb1: {  	v3 =	vperm.xlane v3, v2;
	v4 =	vadd.s32 v1, v4;
	_ =	sdelay $0x1  }
0xb2: {  	v3 =	vadd.s32 v1, v3;
	_ =	sdelay $0x2  }
0xb3: {  	[tilespmem:s28], [sflag:$0x1] =	stream.indirect_vreg.gather [hbm4b:s1+s3], $0x80, v4, vm0, $0xb8;
	[tilespmem:$0x10100] =	vst v63  }
0xb4: {  	_ = 	snop  }
0xb5: {  	[tilespmem:s29], [sflag:$0x1] =	stream.indirect_vreg.gather [hbm4b:s1+s3], $0x80, v3, vm0, $0xb8;
	[tilespmem:$0x10100] =	vst v63  }
0xb6: {  	v3 =	vld [tilespmem:$0xF0];
	_ =	sdelay $0x4  }
0xb7: {  	v63 =	vshll.u32 v3, $0x1  }
0xb8: {  	v3 =	vand.u32 $0x7, v3;
	v4 =	vand.u32 $0xFFFFFFF0, v63  }
0xb9: {  	v3 =	vor.u32 v3, v4  }
0xba: {  	v4 =	vperm.xlane v3, v0;
	_ =	sdelay $0x1  }
0xbb: {  	v3 =	vperm.xlane v3, v2;
	v4 =	vadd.s32 v1, v4;
	_ =	sdelay $0x1  }
0xbc: {  	v3 =	vadd.s32 v1, v3;
	_ =	sdelay $0x2  }
0xbd: {  	[tilespmem:s30], [sflag:$0x1] =	stream.indirect_vreg.gather [hbm4b:s1+s3], $0x80, v4, vm0, $0xb8;
	[tilespmem:$0x10100] =	vst v63  }
0xbe: {  	_ = 	snop  }
0xbf: {  	[tilespmem:s31], [sflag:$0x1] =	stream.indirect_vreg.gather [hbm4b:s1+s3], $0x80, v3, vm0, $0xb8;
	[tilespmem:$0x10100] =	vst v63  }
0xc0: {  	_ =	swait.ge [sflag:s2], $0x10000  }
0xc1: {  	p0 =	sne.s32 s4, $0x1;
	[sflag:s2] =	ssyncset.done $0x0  }
.Ltmp0:
0xc2: {  	s7 =	rddreg [dreg:$0x5];
	[sflag:s2] =	ssyncadd.s32 $0xFFFF0000;
	(pc) =	sbr.rel @p0 .LBB2_1-.Ltmp0, $4  }
0xc3: {  	[hbm4b:s7+s3] =	stream.linear.scatter [tilespmem:s6], [sflag:$0x2], $0x10000, $0x38;
	[tilespmem:$0x10100] =	vst v63  }
0xc4: {  	_ =	swait.ge [sflag:s5], $0x10000  }
0xc5: {  	[sflag:s5] =	ssyncset.done $0x0  }
0xc6: {  	s4 =	sadd.s32 $0xFFFFFFFF, s4;
	[sflag:s5] =	ssyncadd.s32 $0xFFFF0000  }
0xc7: {  	_ =	sfence.sel $0x180000  }
0xc8: {  	[bflag:$0x0] =	sbarrier.arrive $0xFFFF  }
0xc9: {  	_ =	strace $0x90000047  }
0xca: {  	s0 =	stileid.u32;
	[bflag:$0x2] =	sbarrier.arrive $0xFFFF  }
0xcb: {  	p0 =	sne.s32 s0, $0x0;
	s0 =	rddreg [dreg:$0x3]  }
0xcc: {  	s0 =	sadd.s32 @!p0 $0x100000, s0  }
0xcd: {  	[sflag:s0] =	ssyncadd.tile.s32 @!p0 $0x1;
	_ =	shalt  }
.Lfunc_end2:
_tile_overlayer_lowered:
.L_overlay_start_2:
0xce: {  	(tag) =	ssettag $0x2  }
0xcf: {  	s0 =	rddreg [dreg:$0x0];
	s2 =	stileid.u32  }
0xd0: {  	s1 =	rddreg [dreg:$0x1];
	p0 =	sne.s32 s2, $0x0  }
0xd1: {  	s3 =	rddreg [dreg:$0x2];
	[bflag:$0x3] =	sbarrier.arrive $0xFFFF;
	s2 =	simm.s32 @!p0 $0x1C02  }
0xd2: {  	[timem:s3], [sflag:s2] =	dma.local @!p0 [hbm:s0], s1  }
0xd3: {  	s0 =	simm.s32 @!p0 $0x2  }
0xd4: {  	_ =	swait.ge @!p0 [sflag:s0], s1  }
0xd5: {  	s1 =	ssub.s32 @!p0 $0x0, s1;
	[sflag:s0] =	ssyncset.done @!p0 $0x0  }
0xd6: {  	[sflag:s0] =	ssyncadd.s32 @!p0 s1  }
0xd7: {  	[bflag:$0x3] =	sbarrier.arrive $0xFFFF  }
0xd8: {  	_ =	shalt  }

</sc_bundles>
